<compile_context>
chip_gen: v7x
topology: tpu7x:2x2x1
jax: 0.10.2.dev20260603
libtpu: 0.0.44.dev20260713+nightly
codegen_flags: <defaults>
</compile_context>

<pallas_src>
import functools

import jax
import jax.numpy as jnp
from jax import lax
from jax.experimental import pallas as pl
from jax.experimental.pallas import tpu as pltpu
from jax.experimental.pallas import tpu_sc as plsc

B = 1024
D = 128
N_CAND = 16384

NC = 2
NS = 16
NW = NC * NS

USERS_PER_W = B // NW
ITEMS_PER_W = N_CAND // NW
IDX_CHUNK = 128
N_CHUNKS = ITEMS_PER_W // IDX_CHUNK

_MESH = plsc.VectorSubcoreMesh(core_axis_name="c", subcore_axis_name="s")


def _gather_body(qidx_hbm, iidx_hbm, user_hbm, item_hbm, u_out, it_out,
                 qi_v, u_v, ii_v, it_v, isem, usem, wsem, g0, g1, g2, g3):
    wid = lax.axis_index("s") * NC + lax.axis_index("c")
    ub = wid * USERS_PER_W
    ib = wid * ITEMS_PER_W
    gsems = [g0, g1, g2, g3]

    qi_copy = pltpu.async_copy(qidx_hbm.at[pl.ds(ub, USERS_PER_W)], qi_v, isem)
    ii_copy = pltpu.async_copy(iidx_hbm.at[pl.ds(ib, ITEMS_PER_W)], ii_v, usem)
    qi_copy.wait()
    ii_copy.wait()

    u_copy = pltpu.async_copy(user_hbm.at[qi_v], u_v, usem)

    gathers = []
    for k in range(N_CHUNKS):
        gathers.append(pltpu.async_copy(
            item_hbm.at[ii_v.at[pl.ds(k * IDX_CHUNK, IDX_CHUNK)]],
            it_v.at[pl.ds(k * IDX_CHUNK, IDX_CHUNK)],
            gsems[k],
        ))

    u_copy.wait()
    u_wr = pltpu.async_copy(u_v, u_out.at[pl.ds(ub, USERS_PER_W)], wsem)

    writes = []
    for k in range(N_CHUNKS):
        gathers[k].wait()
        writes.append(pltpu.async_copy(
            it_v.at[pl.ds(k * IDX_CHUNK, IDX_CHUNK)],
            it_out.at[pl.ds(ib + k * IDX_CHUNK, IDX_CHUNK)],
            wsem,
        ))
    u_wr.wait()
    for w in writes:
        w.wait()


_gather = functools.partial(
    pl.kernel,
    mesh=_MESH,
    out_type=[
        jax.ShapeDtypeStruct((B, D), jnp.float32),
        jax.ShapeDtypeStruct((N_CAND, D), jnp.float32),
    ],
    scratch_types=[
        pltpu.VMEM((USERS_PER_W,), jnp.int32),
        pltpu.VMEM((USERS_PER_W, D), jnp.float32),
        pltpu.VMEM((ITEMS_PER_W,), jnp.int32),
        pltpu.VMEM((ITEMS_PER_W, D), jnp.float32),
    ] + [pltpu.SemaphoreType.DMA] * (3 + N_CHUNKS),
)(_gather_body)


TILE_N = 2048


def _mm_body(u_ref, it_ref, o_ref):
    o_ref[...] = lax.dot_general(
        u_ref[...], it_ref[...],
        dimension_numbers=(((1,), (1,)), ((), ())),
        preferred_element_type=jnp.float32,
    )


def kernel(support_indices, query_indices, item_idx, user_table, item_table):
    del support_indices
    qidx = query_indices.astype(jnp.int32)
    iidx = item_idx.astype(jnp.int32)

    u, it = _gather(qidx, iidx, user_table, item_table)

    scores = pl.pallas_call(
        _mm_body,
        grid=(N_CAND // TILE_N,),
        in_specs=[
            pl.BlockSpec((B, D), lambda j: (0, 0)),
            pl.BlockSpec((TILE_N, D), lambda j: (j, 0)),
        ],
        out_specs=pl.BlockSpec((B, TILE_N), lambda j: (0, j)),
        out_shape=jax.ShapeDtypeStruct((B, N_CAND), jnp.float32),
    )(u, it)
    return scores

# --- scband reference (transcript-rebuilt; emitter-appended) ---
"""Pipeline reference for scband-proto-net-item-user-ll-54520314856137 (READ-ONLY COPY).

The authoritative reference and input builder live on the scoring server;
editing this copy changes nothing except your own understanding.
"""

import jax, jax.numpy as jnp
import numpy as np

B = 1024
N_USERS = 100000
N_ITEMS = 100000
D = 128
N_CAND = 16384


def _glorot(key, shape):
    fan_in, fan_out = shape[1], shape[0]
    limit = float(np.sqrt(6.0 / (fan_in + fan_out)))
    return jax.random.uniform(key, shape, dtype=jnp.float32, minval=-limit, maxval=limit)


def setup_inputs(seed: int = 0) -> dict:
    key = jax.random.key(seed)
    k1, k2, k3, k4, k5 = jax.random.split(key, 5)
    support_indices = jax.random.randint(k1, (B,), 0, N_USERS)
    query_indices = jax.random.randint(k2, (B,), 0, N_USERS)
    item_idx = jax.random.randint(k3, (N_CAND,), 0, N_ITEMS)
    # learned parameters (embedding tables, xavier_uniform init as in the module)
    user_table = _glorot(k4, (N_USERS, D))
    item_table = _glorot(k5, (N_ITEMS, D))
    return {
        "support_indices": support_indices,
        "query_indices": query_indices,
        "item_idx": item_idx,
        "user_table": user_table,
        "item_table": item_table,
    }


def reference(support_indices, query_indices, item_idx, user_table, item_table):
    # mode='base', base_model='bpr' path of ProtoNetItemUserLL.base_forward.
    # Dropout layers are identity in eval mode.
    # user embedding lookup (gather) for the query users
    u = jnp.take(user_table, query_indices, axis=0)            # [B, D]
    # item embedding lookup (gather) for the candidate items
    it = jnp.take(item_table, item_idx, axis=0)                # [N_CAND, D]
    # BPR-style inner-product scoring of every query user against candidates
    scores = u @ it.T                                          # [B, N_CAND]
    return scores

if __name__ == "__main__":
    import jax
    _d = setup_inputs()
    print(jax.jit(kernel)(*tuple(_d.values())))

</pallas_src>

<mosaic_0001>
#map = affine_map<(d0, d1) -> (0)>
#map1 = affine_map<(d0, d1) -> (0, 0)>
module attributes {stable_mosaic.version = 14 : i64} {
  func.func @_gather_body(%arg0: i32, %arg1: i32, %arg2: memref<1024xi32, #tpu.memory_space<hbm>>, %arg3: memref<16384xi32, #tpu.memory_space<hbm>>, %arg4: memref<100000x128xf32, #tpu.memory_space<hbm>>, %arg5: memref<100000x128xf32, #tpu.memory_space<hbm>>, %arg6: memref<1024x128xf32, #tpu.memory_space<hbm>>, %arg7: memref<16384x128xf32, #tpu.memory_space<hbm>>, %arg8: memref<32xi32, #tpu.memory_space<vmem>>, %arg9: memref<32x128xf32, #tpu.memory_space<vmem>>, %arg10: memref<512xi32, #tpu.memory_space<vmem>>, %arg11: memref<512x128xf32, #tpu.memory_space<vmem>>, %arg12: memref<!tpu.dma_semaphore, #tpu.memory_space<semaphore_mem>>, %arg13: memref<!tpu.dma_semaphore, #tpu.memory_space<semaphore_mem>>, %arg14: memref<!tpu.dma_semaphore, #tpu.memory_space<semaphore_mem>>, %arg15: memref<!tpu.dma_semaphore, #tpu.memory_space<semaphore_mem>>, %arg16: memref<!tpu.dma_semaphore, #tpu.memory_space<semaphore_mem>>, %arg17: memref<!tpu.dma_semaphore, #tpu.memory_space<semaphore_mem>>, %arg18: memref<!tpu.dma_semaphore, #tpu.memory_space<semaphore_mem>>) attributes {dimension_semantics = [#tpu.dimension_semantics<core_parallel>, #tpu.dimension_semantics<subcore_parallel>], iteration_bounds = array<i64: 2, 16>, scalar_prefetch = 0 : i64, scratch_operands = 11 : i64, tpu.core_type = #tpu.core_type<sc_vector_subcore>, window_params = [{transform_indices = #map}, {transform_indices = #map}, {transform_indices = #map1}, {transform_indices = #map1}, {transform_indices = #map1}, {transform_indices = #map1}]} {
    %mul3A = arith.constant 2 : i32
    %mul3A_0 = arith.muli %arg1, %mul3A : i32
    %add3A = arith.addi %mul3A_0, %arg0 : i32
    %mul3A_1 = arith.constant 32 : i32
    %mul3A_2 = arith.muli %add3A, %mul3A_1 : i32
    %mul3A_3 = arith.constant 512 : i32
    %mul3A_4 = arith.muli %add3A, %mul3A_3 : i32
    %dma_start3A = tpu.memref_slice %arg2[%mul3A_2] : memref<1024xi32, #tpu.memory_space<hbm>> -> memref<32xi32, #tpu.memory_space<hbm>>
    %dma_start3A_5 = tpu.memref_slice %arg2[%mul3A_2] : memref<1024xi32, #tpu.memory_space<hbm>> -> memref<32xi32, #tpu.memory_space<hbm>>
    tpu.enqueue_dma source(%dma_start3A_5 : memref<32xi32, #tpu.memory_space<hbm>>) target(%arg8 : memref<32xi32, #tpu.memory_space<vmem>>) target_semaphore(%arg12 : memref<!tpu.dma_semaphore, #tpu.memory_space<semaphore_mem>>)
    %dma_start3A_6 = tpu.memref_slice %arg3[%mul3A_4] : memref<16384xi32, #tpu.memory_space<hbm>> -> memref<512xi32, #tpu.memory_space<hbm>>
    %dma_start3A_7 = tpu.memref_slice %arg3[%mul3A_4] : memref<16384xi32, #tpu.memory_space<hbm>> -> memref<512xi32, #tpu.memory_space<hbm>>
    tpu.enqueue_dma source(%dma_start3A_7 : memref<512xi32, #tpu.memory_space<hbm>>) target(%arg10 : memref<512xi32, #tpu.memory_space<vmem>>) target_semaphore(%arg13 : memref<!tpu.dma_semaphore, #tpu.memory_space<semaphore_mem>>)
    %dma_wait3A = tpu.memref_slice %arg2[%mul3A_2] : memref<1024xi32, #tpu.memory_space<hbm>> -> memref<32xi32, #tpu.memory_space<hbm>>
    %dma_wait3A_8 = tpu.memref_slice %arg2[%mul3A_2] : memref<1024xi32, #tpu.memory_space<hbm>> -> memref<32xi32, #tpu.memory_space<hbm>>
    tpu.wait_dma2 semaphore(%arg12 : memref<!tpu.dma_semaphore, #tpu.memory_space<semaphore_mem>>) src(%dma_wait3A_8 : memref<32xi32, #tpu.memory_space<hbm>>) dst(%arg8 : memref<32xi32, #tpu.memory_space<vmem>>)
    %dma_wait3A_9 = tpu.memref_slice %arg3[%mul3A_4] : memref<16384xi32, #tpu.memory_space<hbm>> -> memref<512xi32, #tpu.memory_space<hbm>>
    %dma_wait3A_10 = tpu.memref_slice %arg3[%mul3A_4] : memref<16384xi32, #tpu.memory_space<hbm>> -> memref<512xi32, #tpu.memory_space<hbm>>
    tpu.wait_dma2 semaphore(%arg13 : memref<!tpu.dma_semaphore, #tpu.memory_space<semaphore_mem>>) src(%dma_wait3A_10 : memref<512xi32, #tpu.memory_space<hbm>>) dst(%arg10 : memref<512xi32, #tpu.memory_space<vmem>>)
    %dma_start3A_11 = arith.constant 0 : i32
    %dma_start3A_12 = arith.constant 0 : i32
    %dma_start3A_13 = tpu.memref_slice %arg4[%dma_start3A_11, %dma_start3A_12] : memref<100000x128xf32, #tpu.memory_space<hbm>> -> memref<100000x128xf32, #tpu.memory_space<hbm>>
    tpu.enqueue_indirect_dma source(%dma_start3A_13 : memref<100000x128xf32, #tpu.memory_space<hbm>>) target(%arg9 : memref<32x128xf32, #tpu.memory_space<vmem>>) offsets(%arg8 : memref<32xi32, #tpu.memory_space<vmem>>) semaphore(%arg13 : memref<!tpu.dma_semaphore, #tpu.memory_space<semaphore_mem>>)
    %dma_start3A_14 = arith.constant 0 : i32
    %dma_start3A_15 = arith.constant 0 : i32
    %dma_start3A_16 = tpu.memref_slice %arg11[%dma_start3A_14, %dma_start3A_15] : memref<512x128xf32, #tpu.memory_space<vmem>> -> memref<128x128xf32, #tpu.memory_space<vmem>>
    %dma_start3A_17 = arith.constant 0 : i32
    %dma_start3A_18 = tpu.memref_slice %arg10[%dma_start3A_17] : memref<512xi32, #tpu.memory_space<vmem>> -> memref<128xi32, #tpu.memory_space<vmem>>
    %dma_start3A_19 = arith.constant 0 : i32
    %dma_start3A_20 = arith.constant 0 : i32
    %dma_start3A_21 = tpu.memref_slice %arg5[%dma_start3A_19, %dma_start3A_20] : memref<100000x128xf32, #tpu.memory_space<hbm>> -> memref<100000x128xf32, #tpu.memory_space<hbm>>
    tpu.enqueue_indirect_dma source(%dma_start3A_21 : memref<100000x128xf32, #tpu.memory_space<hbm>>) target(%dma_start3A_16 : memref<128x128xf32, #tpu.memory_space<vmem>>) offsets(%dma_start3A_18 : memref<128xi32, #tpu.memory_space<vmem>>) semaphore(%arg15 : memref<!tpu.dma_semaphore, #tpu.memory_space<semaphore_mem>>)
    %dma_start3A_22 = arith.constant 128 : i32
    %dma_start3A_23 = arith.constant 0 : i32
    %dma_start3A_24 = tpu.memref_slice %arg11[%dma_start3A_22, %dma_start3A_23] : memref<512x128xf32, #tpu.memory_space<vmem>> -> memref<128x128xf32, #tpu.memory_space<vmem>>
    %dma_start3A_25 = arith.constant 128 : i32
    %dma_start3A_26 = tpu.memref_slice %arg10[%dma_start3A_25] : memref<512xi32, #tpu.memory_space<vmem>> -> memref<128xi32, #tpu.memory_space<vmem>>
    %dma_start3A_27 = arith.constant 0 : i32
    %dma_start3A_28 = arith.constant 0 : i32
    %dma_start3A_29 = tpu.memref_slice %arg5[%dma_start3A_27, %dma_start3A_28] : memref<100000x128xf32, #tpu.memory_space<hbm>> -> memref<100000x128xf32, #tpu.memory_space<hbm>>
    tpu.enqueue_indirect_dma source(%dma_start3A_29 : memref<100000x128xf32, #tpu.memory_space<hbm>>) target(%dma_start3A_24 : memref<128x128xf32, #tpu.memory_space<vmem>>) offsets(%dma_start3A_26 : memref<128xi32, #tpu.memory_space<vmem>>) semaphore(%arg16 : memref<!tpu.dma_semaphore, #tpu.memory_space<semaphore_mem>>)
    %dma_start3A_30 = arith.constant 256 : i32
    %dma_start3A_31 = arith.constant 0 : i32
    %dma_start3A_32 = tpu.memref_slice %arg11[%dma_start3A_30, %dma_start3A_31] : memref<512x128xf32, #tpu.memory_space<vmem>> -> memref<128x128xf32, #tpu.memory_space<vmem>>
    %dma_start3A_33 = arith.constant 256 : i32
    %dma_start3A_34 = tpu.memref_slice %arg10[%dma_start3A_33] : memref<512xi32, #tpu.memory_space<vmem>> -> memref<128xi32, #tpu.memory_space<vmem>>
    %dma_start3A_35 = arith.constant 0 : i32
    %dma_start3A_36 = arith.constant 0 : i32
    %dma_start3A_37 = tpu.memref_slice %arg5[%dma_start3A_35, %dma_start3A_36] : memref<100000x128xf32, #tpu.memory_space<hbm>> -> memref<100000x128xf32, #tpu.memory_space<hbm>>
    tpu.enqueue_indirect_dma source(%dma_start3A_37 : memref<100000x128xf32, #tpu.memory_space<hbm>>) target(%dma_start3A_32 : memref<128x128xf32, #tpu.memory_space<vmem>>) offsets(%dma_start3A_34 : memref<128xi32, #tpu.memory_space<vmem>>) semaphore(%arg17 : memref<!tpu.dma_semaphore, #tpu.memory_space<semaphore_mem>>)
    %dma_start3A_38 = arith.constant 384 : i32
    %dma_start3A_39 = arith.constant 0 : i32
    %dma_start3A_40 = tpu.memref_slice %arg11[%dma_start3A_38, %dma_start3A_39] : memref<512x128xf32, #tpu.memory_space<vmem>> -> memref<128x128xf32, #tpu.memory_space<vmem>>
    %dma_start3A_41 = arith.constant 384 : i32
    %dma_start3A_42 = tpu.memref_slice %arg10[%dma_start3A_41] : memref<512xi32, #tpu.memory_space<vmem>> -> memref<128xi32, #tpu.memory_space<vmem>>
    %dma_start3A_43 = arith.constant 0 : i32
    %dma_start3A_44 = arith.constant 0 : i32
    %dma_start3A_45 = tpu.memref_slice %arg5[%dma_start3A_43, %dma_start3A_44] : memref<100000x128xf32, #tpu.memory_space<hbm>> -> memref<100000x128xf32, #tpu.memory_space<hbm>>
    tpu.enqueue_indirect_dma source(%dma_start3A_45 : memref<100000x128xf32, #tpu.memory_space<hbm>>) target(%dma_start3A_40 : memref<128x128xf32, #tpu.memory_space<vmem>>) offsets(%dma_start3A_42 : memref<128xi32, #tpu.memory_space<vmem>>) semaphore(%arg18 : memref<!tpu.dma_semaphore, #tpu.memory_space<semaphore_mem>>)
    %dma_wait3A_46 = arith.constant 0 : i32
    %dma_wait3A_47 = arith.constant 0 : i32
    %dma_wait3A_48 = tpu.memref_slice %arg4[%dma_wait3A_46, %dma_wait3A_47] : memref<100000x128xf32, #tpu.memory_space<hbm>> -> memref<100000x128xf32, #tpu.memory_space<hbm>>
    tpu.wait_indirect_dma semaphore(%arg13 : memref<!tpu.dma_semaphore, #tpu.memory_space<semaphore_mem>>) src(%dma_wait3A_48 : memref<100000x128xf32, #tpu.memory_space<hbm>>) dst(%arg9 : memref<32x128xf32, #tpu.memory_space<vmem>>)
    %dma_start3A_49 = arith.constant 0 : i32
    %dma_start3A_50 = tpu.memref_slice %arg6[%mul3A_2, %dma_start3A_49] : memref<1024x128xf32, #tpu.memory_space<hbm>> -> memref<32x128xf32, #tpu.memory_space<hbm>>
    %dma_start3A_51 = arith.constant 0 : i32
    %dma_start3A_52 = tpu.memref_slice %arg6[%mul3A_2, %dma_start3A_51] : memref<1024x128xf32, #tpu.memory_space<hbm>> -> memref<32x128xf32, #tpu.memory_space<hbm>>
    tpu.enqueue_dma source(%arg9 : memref<32x128xf32, #tpu.memory_space<vmem>>) target(%dma_start3A_52 : memref<32x128xf32, #tpu.memory_space<hbm>>) target_semaphore(%arg14 : memref<!tpu.dma_semaphore, #tpu.memory_space<semaphore_mem>>)
    %dma_wait3A_53 = arith.constant 0 : i32
    %dma_wait3A_54 = arith.constant 0 : i32
    %dma_wait3A_55 = tpu.memref_slice %arg11[%dma_wait3A_53, %dma_wait3A_54] : memref<512x128xf32, #tpu.memory_space<vmem>> -> memref<128x128xf32, #tpu.memory_space<vmem>>
    %dma_wait3A_56 = arith.constant 0 : i32
    %dma_wait3A_57 = tpu.memref_slice %arg10[%dma_wait3A_56] : memref<512xi32, #tpu.memory_space<vmem>> -> memref<128xi32, #tpu.memory_space<vmem>>
    %dma_wait3A_58 = arith.constant 0 : i32
    %dma_wait3A_59 = arith.constant 0 : i32
    %dma_wait3A_60 = tpu.memref_slice %arg5[%dma_wait3A_58, %dma_wait3A_59] : memref<100000x128xf32, #tpu.memory_space<hbm>> -> memref<100000x128xf32, #tpu.memory_space<hbm>>
    tpu.wait_indirect_dma semaphore(%arg15 : memref<!tpu.dma_semaphore, #tpu.memory_space<semaphore_mem>>) src(%dma_wait3A_60 : memref<100000x128xf32, #tpu.memory_space<hbm>>) dst(%dma_wait3A_55 : memref<128x128xf32, #tpu.memory_space<vmem>>)
    %add3A_61 = arith.constant 0 : i32
    %add3A_62 = arith.addi %mul3A_4, %add3A_61 : i32
    %dma_start3A_63 = arith.constant 0 : i32
    %dma_start3A_64 = arith.constant 0 : i32
    %dma_start3A_65 = tpu.memref_slice %arg11[%dma_start3A_63, %dma_start3A_64] : memref<512x128xf32, #tpu.memory_space<vmem>> -> memref<128x128xf32, #tpu.memory_space<vmem>>
    %dma_start3A_66 = arith.constant 0 : i32
    %dma_start3A_67 = tpu.memref_slice %arg7[%add3A_62, %dma_start3A_66] : memref<16384x128xf32, #tpu.memory_space<hbm>> -> memref<128x128xf32, #tpu.memory_space<hbm>>
    %dma_start3A_68 = arith.constant 0 : i32
    %dma_start3A_69 = tpu.memref_slice %arg7[%add3A_62, %dma_start3A_68] : memref<16384x128xf32, #tpu.memory_space<hbm>> -> memref<128x128xf32, #tpu.memory_space<hbm>>
    %dma_start3A_70 = arith.constant 0 : i32
    %dma_start3A_71 = arith.constant 0 : i32
    %dma_start3A_72 = tpu.memref_slice %arg11[%dma_start3A_70, %dma_start3A_71] : memref<512x128xf32, #tpu.memory_space<vmem>> -> memref<128x128xf32, #tpu.memory_space<vmem>>
    tpu.enqueue_dma source(%dma_start3A_72 : memref<128x128xf32, #tpu.memory_space<vmem>>) target(%dma_start3A_69 : memref<128x128xf32, #tpu.memory_space<hbm>>) target_semaphore(%arg14 : memref<!tpu.dma_semaphore, #tpu.memory_space<semaphore_mem>>)
    %dma_wait3A_73 = arith.constant 128 : i32
    %dma_wait3A_74 = arith.constant 0 : i32
    %dma_wait3A_75 = tpu.memref_slice %arg11[%dma_wait3A_73, %dma_wait3A_74] : memref<512x128xf32, #tpu.memory_space<vmem>> -> memref<128x128xf32, #tpu.memory_space<vmem>>
    %dma_wait3A_76 = arith.constant 128 : i32
    %dma_wait3A_77 = tpu.memref_slice %arg10[%dma_wait3A_76] : memref<512xi32, #tpu.memory_space<vmem>> -> memref<128xi32, #tpu.memory_space<vmem>>
    %dma_wait3A_78 = arith.constant 0 : i32
    %dma_wait3A_79 = arith.constant 0 : i32
    %dma_wait3A_80 = tpu.memref_slice %arg5[%dma_wait3A_78, %dma_wait3A_79] : memref<100000x128xf32, #tpu.memory_space<hbm>> -> memref<100000x128xf32, #tpu.memory_space<hbm>>
    tpu.wait_indirect_dma semaphore(%arg16 : memref<!tpu.dma_semaphore, #tpu.memory_space<semaphore_mem>>) src(%dma_wait3A_80 : memref<100000x128xf32, #tpu.memory_space<hbm>>) dst(%dma_wait3A_75 : memref<128x128xf32, #tpu.memory_space<vmem>>)
    %add3A_81 = arith.constant 128 : i32
    %add3A_82 = arith.addi %mul3A_4, %add3A_81 : i32
    %dma_start3A_83 = arith.constant 128 : i32
    %dma_start3A_84 = arith.constant 0 : i32
    %dma_start3A_85 = tpu.memref_slice %arg11[%dma_start3A_83, %dma_start3A_84] : memref<512x128xf32, #tpu.memory_space<vmem>> -> memref<128x128xf32, #tpu.memory_space<vmem>>
    %dma_start3A_86 = arith.constant 0 : i32
    %dma_start3A_87 = tpu.memref_slice %arg7[%add3A_82, %dma_start3A_86] : memref<16384x128xf32, #tpu.memory_space<hbm>> -> memref<128x128xf32, #tpu.memory_space<hbm>>
    %dma_start3A_88 = arith.constant 0 : i32
    %dma_start3A_89 = tpu.memref_slice %arg7[%add3A_82, %dma_start3A_88] : memref<16384x128xf32, #tpu.memory_space<hbm>> -> memref<128x128xf32, #tpu.memory_space<hbm>>
    %dma_start3A_90 = arith.constant 128 : i32
    %dma_start3A_91 = arith.constant 0 : i32
    %dma_start3A_92 = tpu.memref_slice %arg11[%dma_start3A_90, %dma_start3A_91] : memref<512x128xf32, #tpu.memory_space<vmem>> -> memref<128x128xf32, #tpu.memory_space<vmem>>
    tpu.enqueue_dma source(%dma_start3A_92 : memref<128x128xf32, #tpu.memory_space<vmem>>) target(%dma_start3A_89 : memref<128x128xf32, #tpu.memory_space<hbm>>) target_semaphore(%arg14 : memref<!tpu.dma_semaphore, #tpu.memory_space<semaphore_mem>>)
    %dma_wait3A_93 = arith.constant 256 : i32
    %dma_wait3A_94 = arith.constant 0 : i32
    %dma_wait3A_95 = tpu.memref_slice %arg11[%dma_wait3A_93, %dma_wait3A_94] : memref<512x128xf32, #tpu.memory_space<vmem>> -> memref<128x128xf32, #tpu.memory_space<vmem>>
    %dma_wait3A_96 = arith.constant 256 : i32
    %dma_wait3A_97 = tpu.memref_slice %arg10[%dma_wait3A_96] : memref<512xi32, #tpu.memory_space<vmem>> -> memref<128xi32, #tpu.memory_space<vmem>>
    %dma_wait3A_98 = arith.constant 0 : i32
    %dma_wait3A_99 = arith.constant 0 : i32
    %dma_wait3A_100 = tpu.memref_slice %arg5[%dma_wait3A_98, %dma_wait3A_99] : memref<100000x128xf32, #tpu.memory_space<hbm>> -> memref<100000x128xf32, #tpu.memory_space<hbm>>
    tpu.wait_indirect_dma semaphore(%arg17 : memref<!tpu.dma_semaphore, #tpu.memory_space<semaphore_mem>>) src(%dma_wait3A_100 : memref<100000x128xf32, #tpu.memory_space<hbm>>) dst(%dma_wait3A_95 : memref<128x128xf32, #tpu.memory_space<vmem>>)
    %add3A_101 = arith.constant 256 : i32
    %add3A_102 = arith.addi %mul3A_4, %add3A_101 : i32
    %dma_start3A_103 = arith.constant 256 : i32
    %dma_start3A_104 = arith.constant 0 : i32
    %dma_start3A_105 = tpu.memref_slice %arg11[%dma_start3A_103, %dma_start3A_104] : memref<512x128xf32, #tpu.memory_space<vmem>> -> memref<128x128xf32, #tpu.memory_space<vmem>>
    %dma_start3A_106 = arith.constant 0 : i32
    %dma_start3A_107 = tpu.memref_slice %arg7[%add3A_102, %dma_start3A_106] : memref<16384x128xf32, #tpu.memory_space<hbm>> -> memref<128x128xf32, #tpu.memory_space<hbm>>
    %dma_start3A_108 = arith.constant 0 : i32
    %dma_start3A_109 = tpu.memref_slice %arg7[%add3A_102, %dma_start3A_108] : memref<16384x128xf32, #tpu.memory_space<hbm>> -> memref<128x128xf32, #tpu.memory_space<hbm>>
    %dma_start3A_110 = arith.constant 256 : i32
    %dma_start3A_111 = arith.constant 0 : i32
    %dma_start3A_112 = tpu.memref_slice %arg11[%dma_start3A_110, %dma_start3A_111] : memref<512x128xf32, #tpu.memory_space<vmem>> -> memref<128x128xf32, #tpu.memory_space<vmem>>
    tpu.enqueue_dma source(%dma_start3A_112 : memref<128x128xf32, #tpu.memory_space<vmem>>) target(%dma_start3A_109 : memref<128x128xf32, #tpu.memory_space<hbm>>) target_semaphore(%arg14 : memref<!tpu.dma_semaphore, #tpu.memory_space<semaphore_mem>>)
    %dma_wait3A_113 = arith.constant 384 : i32
    %dma_wait3A_114 = arith.constant 0 : i32
    %dma_wait3A_115 = tpu.memref_slice %arg11[%dma_wait3A_113, %dma_wait3A_114] : memref<512x128xf32, #tpu.memory_space<vmem>> -> memref<128x128xf32, #tpu.memory_space<vmem>>
    %dma_wait3A_116 = arith.constant 384 : i32
    %dma_wait3A_117 = tpu.memref_slice %arg10[%dma_wait3A_116] : memref<512xi32, #tpu.memory_space<vmem>> -> memref<128xi32, #tpu.memory_space<vmem>>
    %dma_wait3A_118 = arith.constant 0 : i32
    %dma_wait3A_119 = arith.constant 0 : i32
    %dma_wait3A_120 = tpu.memref_slice %arg5[%dma_wait3A_118, %dma_wait3A_119] : memref<100000x128xf32, #tpu.memory_space<hbm>> -> memref<100000x128xf32, #tpu.memory_space<hbm>>
    tpu.wait_indirect_dma semaphore(%arg18 : memref<!tpu.dma_semaphore, #tpu.memory_space<semaphore_mem>>) src(%dma_wait3A_120 : memref<100000x128xf32, #tpu.memory_space<hbm>>) dst(%dma_wait3A_115 : memref<128x128xf32, #tpu.memory_space<vmem>>)
    %add3A_121 = arith.constant 384 : i32
    %add3A_122 = arith.addi %mul3A_4, %add3A_121 : i32
    %dma_start3A_123 = arith.constant 384 : i32
    %dma_start3A_124 = arith.constant 0 : i32
    %dma_start3A_125 = tpu.memref_slice %arg11[%dma_start3A_123, %dma_start3A_124] : memref<512x128xf32, #tpu.memory_space<vmem>> -> memref<128x128xf32, #tpu.memory_space<vmem>>
    %dma_start3A_126 = arith.constant 0 : i32
    %dma_start3A_127 = tpu.memref_slice %arg7[%add3A_122, %dma_start3A_126] : memref<16384x128xf32, #tpu.memory_space<hbm>> -> memref<128x128xf32, #tpu.memory_space<hbm>>
    %dma_start3A_128 = arith.constant 0 : i32
    %dma_start3A_129 = tpu.memref_slice %arg7[%add3A_122, %dma_start3A_128] : memref<16384x128xf32, #tpu.memory_space<hbm>> -> memref<128x128xf32, #tpu.memory_space<hbm>>
    %dma_start3A_130 = arith.constant 384 : i32
    %dma_start3A_131 = arith.constant 0 : i32
    %dma_start3A_132 = tpu.memref_slice %arg11[%dma_start3A_130, %dma_start3A_131] : memref<512x128xf32, #tpu.memory_space<vmem>> -> memref<128x128xf32, #tpu.memory_space<vmem>>
    tpu.enqueue_dma source(%dma_start3A_132 : memref<128x128xf32, #tpu.memory_space<vmem>>) target(%dma_start3A_129 : memref<128x128xf32, #tpu.memory_space<hbm>>) target_semaphore(%arg14 : memref<!tpu.dma_semaphore, #tpu.memory_space<semaphore_mem>>)
    %dma_wait3A_133 = arith.constant 0 : i32
    %dma_wait3A_134 = tpu.memref_slice %arg6[%mul3A_2, %dma_wait3A_133] : memref<1024x128xf32, #tpu.memory_space<hbm>> -> memref<32x128xf32, #tpu.memory_space<hbm>>
    %dma_wait3A_135 = arith.constant 0 : i32
    %dma_wait3A_136 = tpu.memref_slice %arg6[%mul3A_2, %dma_wait3A_135] : memref<1024x128xf32, #tpu.memory_space<hbm>> -> memref<32x128xf32, #tpu.memory_space<hbm>>
    tpu.wait_dma2 semaphore(%arg14 : memref<!tpu.dma_semaphore, #tpu.memory_space<semaphore_mem>>) src(%arg9 : memref<32x128xf32, #tpu.memory_space<vmem>>) dst(%dma_wait3A_136 : memref<32x128xf32, #tpu.memory_space<hbm>>)
    %dma_wait3A_137 = arith.constant 0 : i32
    %dma_wait3A_138 = arith.constant 0 : i32
    %dma_wait3A_139 = tpu.memref_slice %arg11[%dma_wait3A_137, %dma_wait3A_138] : memref<512x128xf32, #tpu.memory_space<vmem>> -> memref<128x128xf32, #tpu.memory_space<vmem>>
    %dma_wait3A_140 = arith.constant 0 : i32
    %dma_wait3A_141 = tpu.memref_slice %arg7[%add3A_62, %dma_wait3A_140] : memref<16384x128xf32, #tpu.memory_space<hbm>> -> memref<128x128xf32, #tpu.memory_space<hbm>>
    %dma_wait3A_142 = arith.constant 0 : i32
    %dma_wait3A_143 = tpu.memref_slice %arg7[%add3A_62, %dma_wait3A_142] : memref<16384x128xf32, #tpu.memory_space<hbm>> -> memref<128x128xf32, #tpu.memory_space<hbm>>
    %dma_wait3A_144 = arith.constant 0 : i32
    %dma_wait3A_145 = arith.constant 0 : i32
    %dma_wait3A_146 = tpu.memref_slice %arg11[%dma_wait3A_144, %dma_wait3A_145] : memref<512x128xf32, #tpu.memory_space<vmem>> -> memref<128x128xf32, #tpu.memory_space<vmem>>
    tpu.wait_dma2 semaphore(%arg14 : memref<!tpu.dma_semaphore, #tpu.memory_space<semaphore_mem>>) src(%dma_wait3A_146 : memref<128x128xf32, #tpu.memory_space<vmem>>) dst(%dma_wait3A_143 : memref<128x128xf32, #tpu.memory_space<hbm>>)
    %dma_wait3A_147 = arith.constant 128 : i32
    %dma_wait3A_148 = arith.constant 0 : i32
    %dma_wait3A_149 = tpu.memref_slice %arg11[%dma_wait3A_147, %dma_wait3A_148] : memref<512x128xf32, #tpu.memory_space<vmem>> -> memref<128x128xf32, #tpu.memory_space<vmem>>
    %dma_wait3A_150 = arith.constant 0 : i32
    %dma_wait3A_151 = tpu.memref_slice %arg7[%add3A_82, %dma_wait3A_150] : memref<16384x128xf32, #tpu.memory_space<hbm>> -> memref<128x128xf32, #tpu.memory_space<hbm>>
    %dma_wait3A_152 = arith.constant 0 : i32
    %dma_wait3A_153 = tpu.memref_slice %arg7[%add3A_82, %dma_wait3A_152] : memref<16384x128xf32, #tpu.memory_space<hbm>> -> memref<128x128xf32, #tpu.memory_space<hbm>>
    %dma_wait3A_154 = arith.constant 128 : i32
    %dma_wait3A_155 = arith.constant 0 : i32
    %dma_wait3A_156 = tpu.memref_slice %arg11[%dma_wait3A_154, %dma_wait3A_155] : memref<512x128xf32, #tpu.memory_space<vmem>> -> memref<128x128xf32, #tpu.memory_space<vmem>>
    tpu.wait_dma2 semaphore(%arg14 : memref<!tpu.dma_semaphore, #tpu.memory_space<semaphore_mem>>) src(%dma_wait3A_156 : memref<128x128xf32, #tpu.memory_space<vmem>>) dst(%dma_wait3A_153 : memref<128x128xf32, #tpu.memory_space<hbm>>)
    %dma_wait3A_157 = arith.constant 256 : i32
    %dma_wait3A_158 = arith.constant 0 : i32
    %dma_wait3A_159 = tpu.memref_slice %arg11[%dma_wait3A_157, %dma_wait3A_158] : memref<512x128xf32, #tpu.memory_space<vmem>> -> memref<128x128xf32, #tpu.memory_space<vmem>>
    %dma_wait3A_160 = arith.constant 0 : i32
    %dma_wait3A_161 = tpu.memref_slice %arg7[%add3A_102, %dma_wait3A_160] : memref<16384x128xf32, #tpu.memory_space<hbm>> -> memref<128x128xf32, #tpu.memory_space<hbm>>
    %dma_wait3A_162 = arith.constant 0 : i32
    %dma_wait3A_163 = tpu.memref_slice %arg7[%add3A_102, %dma_wait3A_162] : memref<16384x128xf32, #tpu.memory_space<hbm>> -> memref<128x128xf32, #tpu.memory_space<hbm>>
    %dma_wait3A_164 = arith.constant 256 : i32
    %dma_wait3A_165 = arith.constant 0 : i32
    %dma_wait3A_166 = tpu.memref_slice %arg11[%dma_wait3A_164, %dma_wait3A_165] : memref<512x128xf32, #tpu.memory_space<vmem>> -> memref<128x128xf32, #tpu.memory_space<vmem>>
    tpu.wait_dma2 semaphore(%arg14 : memref<!tpu.dma_semaphore, #tpu.memory_space<semaphore_mem>>) src(%dma_wait3A_166 : memref<128x128xf32, #tpu.memory_space<vmem>>) dst(%dma_wait3A_163 : memref<128x128xf32, #tpu.memory_space<hbm>>)
    %dma_wait3A_167 = arith.constant 384 : i32
    %dma_wait3A_168 = arith.constant 0 : i32
    %dma_wait3A_169 = tpu.memref_slice %arg11[%dma_wait3A_167, %dma_wait3A_168] : memref<512x128xf32, #tpu.memory_space<vmem>> -> memref<128x128xf32, #tpu.memory_space<vmem>>
    %dma_wait3A_170 = arith.constant 0 : i32
    %dma_wait3A_171 = tpu.memref_slice %arg7[%add3A_122, %dma_wait3A_170] : memref<16384x128xf32, #tpu.memory_space<hbm>> -> memref<128x128xf32, #tpu.memory_space<hbm>>
    %dma_wait3A_172 = arith.constant 0 : i32
    %dma_wait3A_173 = tpu.memref_slice %arg7[%add3A_122, %dma_wait3A_172] : memref<16384x128xf32, #tpu.memory_space<hbm>> -> memref<128x128xf32, #tpu.memory_space<hbm>>
    %dma_wait3A_174 = arith.constant 384 : i32
    %dma_wait3A_175 = arith.constant 0 : i32
    %dma_wait3A_176 = tpu.memref_slice %arg11[%dma_wait3A_174, %dma_wait3A_175] : memref<512x128xf32, #tpu.memory_space<vmem>> -> memref<128x128xf32, #tpu.memory_space<vmem>>
    tpu.wait_dma2 semaphore(%arg14 : memref<!tpu.dma_semaphore, #tpu.memory_space<semaphore_mem>>) src(%dma_wait3A_176 : memref<128x128xf32, #tpu.memory_space<vmem>>) dst(%dma_wait3A_173 : memref<128x128xf32, #tpu.memory_space<hbm>>)
    return
  }
}

module attributes {stable_mosaic.version = 14 : i64} {
  func.func @_mm_body(%arg0: i32, %arg1: memref<1024x128xf32, #tpu.memory_space<vmem>>, %arg2: memref<2048x128xf32, #tpu.memory_space<vmem>>, %arg3: memref<1024x2048xf32, #tpu.memory_space<vmem>>) attributes {dimension_semantics = [#tpu.dimension_semantics<arbitrary>], iteration_bounds = array<i64: 8>, scalar_prefetch = 0 : i64, scratch_operands = 0 : i64, tpu.core_type = #tpu.core_type<tc>, window_params = [{pipeline_mode = #tpu.pipeline_mode<synchronous>, transform_indices = @transform_0, window_bounds = array<i64: 1024, 128>}, {transform_indices = @transform_1, window_bounds = array<i64: 2048, 128>}, {transform_indices = @transform_2, window_bounds = array<i64: 1024, 2048>}]} {
    %get3A = arith.constant 0 : index
    %get3A_0 = arith.constant 0 : index
    %get3A_1 = vector.load %arg1[%get3A, %get3A_0] : memref<1024x128xf32, #tpu.memory_space<vmem>>, vector<1024x128xf32>
    %get3A_2 = arith.constant 0 : index
    %get3A_3 = arith.constant 0 : index
    %get3A_4 = vector.load %arg2[%get3A_2, %get3A_3] : memref<2048x128xf32, #tpu.memory_space<vmem>>, vector<2048x128xf32>
    %dot_general3A = arith.constant dense<0.000000e+00> : vector<1024x2048xf32>
    %dot_general3A_5 = tpu.matmul %get3A_1, %get3A_4, %dot_general3A {dimension_numbers = #tpu.dot_dimension_numbers<[1], [1], [0], [0], [0, 0, 1, 0], [], []>, transpose_lhs_hint = false} : vector<1024x128xf32>, vector<2048x128xf32>, vector<1024x2048xf32> -> vector<1024x2048xf32>
    %swap3A = arith.constant 0 : index
    %swap3A_6 = arith.constant 0 : index
    %swap3A_7 = vector.load %arg3[%swap3A, %swap3A_6] : memref<1024x2048xf32, #tpu.memory_space<vmem>>, vector<1024x2048xf32>
    tpu.vector_store %arg3[%swap3A, %swap3A_6], %dot_general3A_5 {strides = array<i32>} : memref<1024x2048xf32, #tpu.memory_space<vmem>>, vector<1024x2048xf32>,
    return
  }
  func.func @transform_0(%arg0: i32) -> (i32, i32) {
    %c0_i32 = arith.constant 0 : i32
    %c0_i32_0 = arith.constant 0 : i32
    %c0_i32_1 = arith.constant 0 : i32
    return %c0_i32, %c0_i32_0 : i32, i32
  }
  func.func @transform_1(%arg0: i32) -> (i32, i32) {
    %c0_i32 = arith.constant 0 : i32
    %c0_i32_0 = arith.constant 0 : i32
    return %arg0, %c0_i32 : i32, i32
  }
  func.func @transform_2(%arg0: i32) -> (i32, i32) {
    %c0_i32 = arith.constant 0 : i32
    %c0_i32_0 = arith.constant 0 : i32
    return %c0_i32, %arg0 : i32, i32
  }
}

</mosaic_0001>

<sc_bundles>
// kernel: kernel.4.cloned.1.call-start
scs
__scs_entry_jumppad:
0x0: {  	(pc) =	sbr.rel $0x88, $3  }
0x1: {  	(tag) =	ssettag $0x0;
	lr =	simm.s32 $0x1  }
0x2: {  	[smem:$0x3F9D] =	sst lr;
	_ =	strace $0xD0000000  }
0x3: {  	_ = 	snop  }
0x4: {  	_ = 	snop  }
0x5: {  	_ = 	snop  }
0x6: {  	_ = 	snop  }
0x7: {  	_ = 	snop  }
__scs_overlays_trampoline_lowered:
0x8: {  	[smem:$0x3FAC] =	sst s0  }
0x9: {  	[smem:$0x3FAD] =	sst s1  }
0xa: {  	[smem:$0x3FAE] =	sst s2  }
0xb: {  	[smem:$0x3FAF] =	sst s3  }
0xc: {  	[smem:$0x3FB0] =	sst s4  }
0xd: {  	[smem:$0x3FB1] =	sst s5  }
0xe: {  	[smem:$0x3FB2] =	sst s6  }
0xf: {  	[smem:$0x3FB3] =	sst s7  }
0x10: {  	[smem:$0x3FB4] =	sst s8  }
0x11: {  	[smem:$0x3FB5] =	sst s9;
	s0 =	simm.s32 @!p0 $0x0  }
0x12: {  	s1 =	sld [smem:$0x3F9B];
	s0 =	simm.s32 @p0 $0x1  }
0x13: {  	[smem:$0x3FB6] =	sst s0;
	s0 =	simm.s32 @!p1 $0x0  }
0x14: {  	s2 =	sld [smem:$0x3F9A];
	s0 =	simm.s32 @p1 $0x1  }
0x15: {  	[smem:$0x3FB7] =	sst s0;
	s0 =	simm.s32 @!p2 $0x0  }
0x16: {  	s3 =	sld [smem:$0x3FDB];
	s0 =	simm.s32 @p2 $0x1  }
0x17: {  	s4 =	simm.s32 $0x1BF5;
	[smem:$0x3FB9] =	sst s0  }
0x18: {  	s0 =	sld [smem:$0x3F9C];
	_ =	swait.ge [sflag:s4], $0x0  }
0x19: {  	s7 =	sld [smem:$0x3F9D]  }
0x1a: {  	s8 =	sadd.s32 $0xFFFFE003, lr  }
0x1b: {  	s9 =	sadd.s32 $0xFFFFFEF7, lr;
	s5 =	simm.s32 $0xFFFFFFFF;
	p2 =	slt.u32 s8, $0xFFFFF086  }
0x1c: {  	p1 =	slt.u32 s9, $0xF7A;
	s5 =	simm.s32 @!p2 $0x0  }
0x1d: {  	s5 =	simm.s32 @p1 $0x1;
	p0 =	seq.s32 s7, s2  }
0x1e: {  	s7 =	smul.u32 @!p0 $0xF7A, s2;
	p2 =	seq.s32 @!p0 s5, $0x0  }
0x1f: {  	s9 =	smul.u32 $0xF7A, s1;
	s8 =	simm.s32 @!p0 $0x1BF5;
	p2 =	por !p2, p0  }
0x20: {  	[sflag:s8] =	ssyncset.s32 @!p0 $0xFFFFF086;
	s6 =	sadd.s32 @!p0 s3, s7;
	s7 =	simm.s32 @!p0 $0x108  }
0x21: {  	s3 =	sadd.s32 s3, s9;
	s6 =	sadd.s32 @!p0 $0x88, s6;
	s7 =	simm.s32 @p2 $0x1082  }
0x22: {  	[simem:s7], [sflag:s8] =	dma.local @!p0 [hbm:s6], $0xF7A  }
0x23: {  	s9 =	sor.u32 $0xD0000000, s2;
	s6 =	simm.s32 $0x108;
	_ =	swait.ge @!p0 [sflag:s8], $0x0  }
0x24: {  	s3 =	sadd.s32 $0x88, s3;
	s6 =	simm.s32 @!p1 $0x1082;
	[sflag:s4] =	ssyncset.s32 $0xFFFFF086  }
0x25: {  	[simem:s6], [sflag:s4] =	dma.local [hbm:s3], $0xF7A  }
0x26: {  	[smem:$0x3F9D] =	sst s1;
	(tag) =	ssettag s2;
	_ =	strace s9  }
0x27: {  	s1 =	sld [smem:$0x3FAD]  }
0x28: {  	s2 =	sld [smem:$0x3FAE]  }
0x29: {  	s4 =	sld [smem:$0x3FB0]  }
0x2a: {  	p0 =	seq.s32 s5, $0x0;
	s5 =	sld [smem:$0x3FB1]  }
0x2b: {  	s6 =	sld [smem:$0x3FB2]  }
0x2c: {  	s7 =	sld [smem:$0x3FB3]  }
0x2d: {  	s3 =	simm.s32 $0x108;
	s8 =	sld [smem:$0x3FB4]  }
0x2e: {  	s3 =	simm.s32 @!p0 $0x1082;
	s9 =	sld [smem:$0x3FB5]  }
0x2f: {  	lr =	sadd.s32 s0, s3;
	s0 =	sld [smem:$0x3FAC]  }
0x30: {  	s3 =	sld [smem:$0x3FAF]  }
0x31: {  	[smem:$0x3FB8] =	sst s10  }
0x32: {  	s10 =	sld [smem:$0x3FB6];
	_ =	sdelay $0x3  }
0x33: {  	p0 =	seq.s32 s10, $0x1;
	s10 =	sld [smem:$0x3FB8];
	_ =	sdelay $0x3  }
0x34: {  	[smem:$0x3FB8] =	sst s10  }
0x35: {  	s10 =	sld [smem:$0x3FB7];
	_ =	sdelay $0x3  }
0x36: {  	p1 =	seq.s32 s10, $0x1;
	s10 =	sld [smem:$0x3FB8];
	_ =	sdelay $0x3  }
0x37: {  	[smem:$0x3FB8] =	sst s10  }
0x38: {  	s10 =	sld [smem:$0x3FB9]  }
0x39: {  	_ = 	snop;
	(pc) =	sbr.ind lr, $3  }
0x3a: {  	_ = 	snop  }
0x3b: {  	_ = 	snop  }
0x3c: {  	p2 =	seq.s32 s10, $0x1;
	s10 =	sld [smem:$0x3FB8]  }
0x3d: {  	_ =	shalt  }
0x3e: {  	_ =	shalt  }
0x3f: {  	_ =	shalt  }
0x40: {  	_ =	shalt  }
0x41: {  	_ =	shalt  }
0x42: {  	_ =	shalt  }
0x43: {  	_ =	shalt  }
0x44: {  	_ =	shalt  }
0x45: {  	_ =	shalt  }
0x46: {  	_ =	shalt  }
0x47: {  	_ =	shalt  }
0x48: {  	_ =	shalt  }
0x49: {  	_ =	shalt  }
0x4a: {  	_ =	shalt  }
0x4b: {  	_ =	shalt  }
0x4c: {  	_ =	shalt  }
0x4d: {  	_ =	shalt  }
0x4e: {  	_ =	shalt  }
0x4f: {  	_ =	shalt  }
0x50: {  	_ =	shalt  }
0x51: {  	_ =	shalt  }
0x52: {  	_ =	shalt  }
0x53: {  	_ =	shalt  }
0x54: {  	_ =	shalt  }
0x55: {  	_ =	shalt  }
0x56: {  	_ =	shalt  }
0x57: {  	_ =	shalt  }
0x58: {  	_ =	shalt  }
0x59: {  	_ =	shalt  }
0x5a: {  	_ =	shalt  }
0x5b: {  	_ =	shalt  }
0x5c: {  	_ =	shalt  }
0x5d: {  	_ =	shalt  }
0x5e: {  	_ =	shalt  }
0x5f: {  	_ =	shalt  }
0x60: {  	_ =	shalt  }
0x61: {  	_ =	shalt  }
0x62: {  	_ =	shalt  }
0x63: {  	_ =	shalt  }
0x64: {  	_ =	shalt  }
0x65: {  	_ =	shalt  }
0x66: {  	_ =	shalt  }
0x67: {  	_ =	shalt  }
0x68: {  	_ =	shalt  }
0x69: {  	_ =	shalt  }
0x6a: {  	_ =	shalt  }
0x6b: {  	_ =	shalt  }
0x6c: {  	_ =	shalt  }
0x6d: {  	_ =	shalt  }
0x6e: {  	_ =	shalt  }
0x6f: {  	_ =	shalt  }
0x70: {  	_ =	shalt  }
0x71: {  	_ =	shalt  }
0x72: {  	_ =	shalt  }
0x73: {  	_ =	shalt  }
0x74: {  	_ =	shalt  }
0x75: {  	_ =	shalt  }
0x76: {  	_ =	shalt  }
0x77: {  	_ =	shalt  }
0x78: {  	_ =	shalt  }
0x79: {  	_ =	shalt  }
0x7a: {  	_ =	shalt  }
0x7b: {  	_ =	shalt  }
0x7c: {  	_ =	shalt  }
0x7d: {  	_ =	shalt  }
0x7e: {  	_ =	shalt  }
0x7f: {  	_ =	shalt  }
0x80: {  	_ =	shalt  }
0x81: {  	_ =	shalt  }
0x82: {  	_ =	shalt  }
0x83: {  	_ =	shalt  }
0x84: {  	_ =	shalt  }
0x85: {  	_ =	shalt  }
0x86: {  	_ =	shalt  }
0x87: {  	_ =	shalt  }
.Lfunc_end0:
.L_simem_size_0:
called_computation_lowered:
.L_overlay_start_0:
0x88: {  	s2 =	sld [smem:$0x3FD9]  }
0x89: {  	s3 =	sld [smem:$0x3FFE];
	_ =	sdelay $0x1  }
0x8a: {  	s1 =	srdreg.scid  }
0x8b: {  	s0 =	sand.u32 $0x1, s1  }
0x8c: {  	s17 =	sshll.u32 s0, $0xA;
	s2 =	sadd.s32 s3, s2  }
0x8d: {  	s2 =	sadd.s32 s2, s17  }
0x8e: {  	[smem:$0x3FC4] =	sst s2  }
0x8f: {  	_ = 	snop  }
0x90: {  	s2 =	sld [smem:$0x3FC9]  }
0x91: {  	s18 =	sld [smem:$0x3FC8]  }
0x92: {  	s4 =	sld [smem:$0x3FC7]  }
0x93: {  	s5 =	sld [smem:$0x3FC6]  }
0x94: {  	s6 =	sld [smem:$0x3FD0];
	(tm) =	ssettm $0x1  }
0x95: {  	s7 =	sld [smem:$0x3FFB];
	_ =	sdelay $0x3  }
0x96: {  	_ =	strace s7  }
0x97: {  	s7 =	sld [smem:$0x3FFC];
	_ =	sdelay $0x3  }
0x98: {  	_ =	strace s7  }
0x99: {  	s7 =	sld [smem:$0x3FFD];
	_ =	sdelay $0x3  }
0x9a: {  	_ =	strace s7  }
0x9b: {  	_ =	strace $0x8FFFFFFF  }
0x9c: {  	s19 =	sld [smem:$0x3FDB];
	_ =	sdelay $0x1  }
0x9d: {  	s8 =	simm.s32 $_scs_section_size  }
0x9e: {  	s9 =	simm.s32 $_size__tile_overlayer_lowered;
	s10 =	simm.s32 $_tile_overlayer_lowered  }
0x9f: {  	s22 =	simm.s32 $0x1BFF;
	s21 =	sshll.u32 s10, $0x1;
	s7 =	sadd.s32 s8, s19  }
0xa0: {  	s11 =	simm.s32 $0x0;
	s20 =	sshll.u32 s9, $0x1;
	s9 =	sadd.s32 s21, s7  }
0xa1: {  	[timem:s11], [sflag:s22] =	dma.local [hbm:s9], s20  }
0xa2: {  	_ =	swait.ge [sflag:s22], s20  }
0xa3: {  	s8 =	ssub.s32 $0x0, s20;
	[sflag:s22] =	ssyncset.done $0x0  }
0xa4: {  	[sflag:s22] =	ssyncadd.s32 s8;
	_ =	sdelay $0x1  }
0xa5: {  	s23 =	simm.s32 $0x1B8B  }
0xa6: {  	_ =	swait.ge [sflag:s23], $0x1  }
0xa7: {  	[sflag:s23] =	ssyncset.done $0x0  }
0xa8: {  	s25 =	simm.s32 $0x1B8E;
	s24 =	sld [smem:$0x3FFE];
	[sflag:s23] =	ssyncadd.s32 $0xFFFFFFFF  }
0xa9: {  	s26 =	simm.s32 $execute0_lowered;
	[smem:$0x3FD2] =	sst s25  }
0xaa: {  	s9 =	sshll.u32 s26, $0x1;
	_ =	strace $0x80000046;
	[dreg:$0x1] =	wrdreg $0xFFFFFFFF  }
0xab: {  	s28 =	simm.s32 $_size_execute0_lowered;
	s7 =	sadd.s32 s7, s9;
	[dreg:$0x0] =	wrdreg $0x0  }
0xac: {  	s9 =	sshll.u32 s28, $0x1;
	[dreg:$0x2] =	wrdreg s7  }
0xad: {  	[dreg:$0x3] =	wrdreg s9  }
0xae: {  	[dreg:$0x4] =	wrdreg $0xC0  }
0xaf: {  	_ =	task [dreg:s11], $0x5FFFF  }
0xb0: {  	[dreg:$0x1] =	wrdreg $0xFFFFFFFF  }
0xb1: {  	[dreg:$0x0] =	wrdreg $0x60  }
0xb2: {  	[dreg:$0x2] =	wrdreg s2  }
0xb3: {  	[dreg:$0x3] =	wrdreg s18  }
0xb4: {  	[dreg:$0x4] =	wrdreg s4  }
0xb5: {  	[dreg:$0x5] =	wrdreg s5  }
0xb6: {  	[dreg:$0x6] =	wrdreg s24  }
0xb7: {  	[dreg:$0x7] =	wrdreg s6  }
0xb8: {  	[dreg:$0x8] =	wrdreg $0x9  }
0xb9: {  	_ =	task.clear_ibuf [dreg:s11], $0x9FFFF;
	_ =	strace $0x90000046  }
0xba: {  	s29 =	simm.s32 $0x9;
	_ =	strace $0x80000048  }
0xbb: {  	_ =	swait.ge [sflag:s29], $0x1  }
0xbc: {  	[sflag:s29] =	ssyncadd.s32 $0xFFFFFFFF  }
0xbd: {  	_ =	strace $0x90000048  }
0xbe: {  	_ =	sfence  }
0xbf: {  	s30 =	sld [smem:$0x0];
	_ =	sdelay $0x2  }
0xc0: {  	s31 =	sshll.u32 s1, $0xD;
	s1 =	sshrl.u32 s1, $0x2  }
0xc1: {  	s3 =	sand.u32 $0x4000, s31;
	s1 =	sadd.s32 s1, s30  }
0xc2: {  	s0 =	sor.u32 s3, s0;
	s1 =	sshll.u32 s1, $0x11  }
0xc3: {  	s0 =	sor.u32 s1, s0  }
0xc4: {  	s0 =	sadd.s32 $0x8F2B, s0  }
0xc5: {  	[sflag:s0] =	ssyncadd.remote.s32 $0x1  }
0xc6: {  	_ =	sfence.sel $0xFFFF  }
0xc7: {  	[dreg:$0x0] =	wrdreg $0xFFFFFFFF;
	(pc) =	sbr.abs _section_cstart, $3  }
0xc8: {  	[dreg:$0x1] =	wrdreg $0xFFFFFFFF  }
0xc9: {  	_ =	task.clear_ibuf [dreg:s11], $0x2FFFF;
	_ =	strace $0x9FFFFFFF  }
0xca: {  	(tm) =	ssettm $0x7FFFFFFF  }
0xcb: {  	_ =	shalt  }
tec
execute0_lowered:
.L_overlay_start_1:
0x0: {  	(tag) =	ssettag $0x1  }
0x1: {  	s5 =	rddreg [dreg:$0x0]  }
0x2: {  	s6 =	rddreg [dreg:$0x1]  }
0x3: {  	s1 =	rddreg [dreg:$0x2]  }
0x4: {  	s3 =	rddreg [dreg:$0x3]  }
0x5: {  	s19 =	rddreg [dreg:$0x4]  }
0x6: {  	s2 =	srdreg.scid;
	s0 =	stileid.u32  }
0x7: {  	s21 =	rddreg [dreg:$0x5];
	s30 =	sand.u32 $0x1, s2;
	s7 =	sshll.u32 s0, $0x1  }
0x8: {  	s4 =	simm.s32 $0x0;
	s2 =	rddreg [dreg:$0x6];
	s22 =	sor.u32 s30, s7  }
0x9: {  	[smem:$0x7FF] =	sst s4;
	s7 =	sshll.u32 s22, $0x2  }
0xa: {  	_ =	strace $0x80000047;
	s31 =	sshll.u32 s22, $0x6;
	s5 =	sadd.s32 s5, s7  }
0xb: {  	[tilespmem:s4], [sflag:$0x1] =	stream.linear.gather [hbm4b:s5+s4], $0x20, $0x38;
	[tilespmem:$0x11280] =	vst v63  }
0xc: {  	s8 =	simm.s32 $0x1;
	s6 =	sadd.s32 s6, s31;
	s7 =	simm.s32 $0x1080  }
0xd: {  	[tilespmem:s7], [sflag:$0x2] =	stream.linear.gather [hbm4b:s6+s4], $0x200, $0x38;
	[tilespmem:$0x11280] =	vst v63  }
0xe: {  	_ =	swait.ge [sflag:s8], $0x20  }
0xf: {  	[sflag:s8] =	ssyncset.done $0x0  }
0x10: {  	s9 =	simm.s32 $0x2;
	[sflag:s8] =	ssyncadd.s32 $0xFFFFFFE0  }
0x11: {  	_ =	swait.ge [sflag:s9], $0x200  }
0x12: {  	[sflag:s9] =	ssyncset.done $0x0  }
0x13: {  	s10 =	simm.s32 $0x20;
	s11 =	simm.s32 $0x80;
	[sflag:s9] =	ssyncadd.s32 $0xFFFFFE00  }
0x14: {  	[tilespmem:s11], [sflag:$0x2] =	stream.indirect.gather [hbm4b:s1+s10], $0x80, s4, s10, $0xb8;
	[tilespmem:$0x11280] =	vst v63  }
0x15: {  	s12 =	simm.s32 $0x1280  }
0x16: {  	[tilespmem:s12], [sflag:$0x4] =	stream.indirect.gather [hbm4b:s3+s11], $0x80, s7, s11, $0xb8;
	[tilespmem:$0x11280] =	vst v63  }
0x17: {  	s13 =	simm.s32 $0x1100;
	s14 =	simm.s32 $0x5280  }
0x18: {  	[tilespmem:s14], [sflag:$0x5] =	stream.indirect.gather [hbm4b:s3+s11], $0x80, s13, s11, $0xb8;
	[tilespmem:$0x11280] =	vst v63  }
0x19: {  	s15 =	simm.s32 $0x1180;
	s16 =	simm.s32 $0x9280  }
0x1a: {  	[tilespmem:s16], [sflag:$0x6] =	stream.indirect.gather [hbm4b:s3+s11], $0x80, s15, s11, $0xb8;
	[tilespmem:$0x11280] =	vst v63  }
0x1b: {  	s17 =	simm.s32 $0x1200;
	s18 =	simm.s32 $0xD280  }
0x1c: {  	[tilespmem:s18], [sflag:$0x7] =	stream.indirect.gather [hbm4b:s3+s11], $0x80, s17, s11, $0xb8;
	[tilespmem:$0x11280] =	vst v63  }
0x1d: {  	s20 =	sshll.u32 s22, $0x9;
	_ =	swait.ge [sflag:s9], $0x1000  }
0x1e: {  	s19 =	sadd.s32 s20, s19;
	[sflag:s9] =	ssyncset.done $0x0  }
0x1f: {  	s20 =	simm.s32 $0x4;
	s19 =	sadd.s32 $0xC00, s19;
	[sflag:s9] =	ssyncadd.s32 $0xFFFFF000  }
0x20: {  	[hbm4b:s19+s4] =	stream.linear.scatter [tilespmem:s11], [sflag:$0x3], $0x1000, $0x38;
	[tilespmem:$0x11280] =	vst v63  }
0x21: {  	_ =	swait.ge [sflag:s20], $0x4000  }
0x22: {  	s22 =	sshll.u32 s22, $0xD;
	[sflag:s20] =	ssyncset.done $0x0  }
0x23: {  	s21 =	sadd.s32 s21, s22;
	s22 =	simm.s32 $0x5;
	[sflag:s20] =	ssyncadd.s32 $0xFFFFC000  }
0x24: {  	[hbm4b:s21+s4] =	stream.linear.scatter [tilespmem:s12], [sflag:$0x3], $0x4000, $0x38;
	[tilespmem:$0x11280] =	vst v63  }
0x25: {  	_ =	swait.ge [sflag:s22], $0x4000  }
0x26: {  	[sflag:s22] =	ssyncset.done $0x0  }
0x27: {  	s24 =	simm.s32 $0x6;
	s23 =	sadd.s32 $0x800, s21;
	[sflag:s22] =	ssyncadd.s32 $0xFFFFC000  }
0x28: {  	[hbm4b:s23+s4] =	stream.linear.scatter [tilespmem:s14], [sflag:$0x3], $0x4000, $0x38;
	[tilespmem:$0x11280] =	vst v63  }
0x29: {  	_ =	swait.ge [sflag:s24], $0x4000  }
0x2a: {  	[sflag:s24] =	ssyncset.done $0x0  }
0x2b: {  	s26 =	simm.s32 $0x7;
	s25 =	sadd.s32 $0x1000, s21;
	[sflag:s24] =	ssyncadd.s32 $0xFFFFC000  }
0x2c: {  	[hbm4b:s25+s4] =	stream.linear.scatter [tilespmem:s16], [sflag:$0x3], $0x4000, $0x38;
	[tilespmem:$0x11280] =	vst v63  }
0x2d: {  	_ =	swait.ge [sflag:s26], $0x4000  }
0x2e: {  	[sflag:s26] =	ssyncset.done $0x0  }
0x2f: {  	s29 =	simm.s32 $0x3;
	s28 =	sadd.s32 $0x1800, s21;
	[sflag:s26] =	ssyncadd.s32 $0xFFFFC000  }
0x30: {  	[hbm4b:s28+s4] =	stream.linear.scatter [tilespmem:s18], [sflag:$0x3], $0x4000, $0x38;
	[tilespmem:$0x11280] =	vst v63  }
0x31: {  	_ =	swait.ge [sflag:s29], $0x1000  }
0x32: {  	[sflag:s29] =	ssyncset.done $0x0  }
0x33: {  	[sflag:s29] =	ssyncadd.s32 $0xFFFFF000  }
0x34: {  	_ =	swait.ge [sflag:s29], $0x4000  }
0x35: {  	s30 =	ssub.s32 $0x2, s30;
	[sflag:s29] =	ssyncset.done $0x0  }
0x36: {  	s31 =	sshrl.u32 s30, $0x1;
	[sflag:s29] =	ssyncadd.s32 $0xFFFFC000  }
0x37: {  	s30 =	ssub.s32 s30, s31;
	_ =	swait.ge [sflag:s29], $0x4000  }
0x38: {  	s30 =	smax.u32 s30, $0x1;
	[sflag:s29] =	ssyncset.done $0x0  }
0x39: {  	p0 =	sne.s32 s30, $0x1;
	[sflag:s29] =	ssyncadd.s32 $0xFFFFC000  }
.Ltmp0:
0x3a: {  	_ =	swait.ge [sflag:s29], $0x4000;
	(pc) =	sbr.rel @!p0 .LBB2_2-.Ltmp0, $4  }
0x3b: {  	[sflag:s29] =	ssyncset.done $0x0  }
0x3c: {  	[sflag:s29] =	ssyncadd.s32 $0xFFFFC000  }
0x3d: {  	_ =	swait.ge [sflag:s29], $0x4000  }
0x3e: {  	s30 =	sadd.s32 $0xFFFFFFFF, s30;
	[sflag:s29] =	ssyncset.done $0x0  }
.LBB2_1:
0x3f: {  	p0 =	sne.s32 s30, $0x1;
	s30 =	sadd.s32 $0xFFFFFFFF, s30;
	[sflag:s29] =	ssyncadd.s32 $0xFFFFC000  }
0x40: {  	[tilespmem:s4], [sflag:$0x1] =	stream.linear.gather [hbm4b:s5+s4], $0x20, $0x38;
	[tilespmem:$0x11280] =	vst v63  }
0x41: {  	_ = 	snop  }
0x42: {  	[tilespmem:s7], [sflag:$0x2] =	stream.linear.gather [hbm4b:s6+s4], $0x200, $0x38;
	[tilespmem:$0x11280] =	vst v63  }
0x43: {  	_ =	swait.ge [sflag:s8], $0x20  }
0x44: {  	[sflag:s8] =	ssyncset.done $0x0  }
0x45: {  	[sflag:s8] =	ssyncadd.s32 $0xFFFFFFE0  }
0x46: {  	_ =	swait.ge [sflag:s9], $0x200  }
0x47: {  	[sflag:s9] =	ssyncset.done $0x0  }
0x48: {  	[sflag:s9] =	ssyncadd.s32 $0xFFFFFE00  }
0x49: {  	[tilespmem:s11], [sflag:$0x2] =	stream.indirect.gather [hbm4b:s1+s10], $0x80, s4, s10, $0xb8;
	[tilespmem:$0x11280] =	vst v63  }
0x4a: {  	_ = 	snop  }
0x4b: {  	[tilespmem:s12], [sflag:$0x4] =	stream.indirect.gather [hbm4b:s3+s11], $0x80, s7, s11, $0xb8;
	[tilespmem:$0x11280] =	vst v63  }
0x4c: {  	_ = 	snop  }
0x4d: {  	[tilespmem:s14], [sflag:$0x5] =	stream.indirect.gather [hbm4b:s3+s11], $0x80, s13, s11, $0xb8;
	[tilespmem:$0x11280] =	vst v63  }
0x4e: {  	_ = 	snop  }
0x4f: {  	[tilespmem:s16], [sflag:$0x6] =	stream.indirect.gather [hbm4b:s3+s11], $0x80, s15, s11, $0xb8;
	[tilespmem:$0x11280] =	vst v63  }
0x50: {  	_ = 	snop  }
0x51: {  	[tilespmem:s18], [sflag:$0x7] =	stream.indirect.gather [hbm4b:s3+s11], $0x80, s17, s11, $0xb8;
	[tilespmem:$0x11280] =	vst v63  }
0x52: {  	_ =	swait.ge [sflag:s9], $0x1000  }
0x53: {  	[sflag:s9] =	ssyncset.done $0x0  }
0x54: {  	[sflag:s9] =	ssyncadd.s32 $0xFFFFF000  }
0x55: {  	[hbm4b:s19+s4] =	stream.linear.scatter [tilespmem:s11], [sflag:$0x3], $0x1000, $0x38;
	[tilespmem:$0x11280] =	vst v63  }
0x56: {  	_ =	swait.ge [sflag:s20], $0x4000  }
0x57: {  	[sflag:s20] =	ssyncset.done $0x0  }
0x58: {  	[sflag:s20] =	ssyncadd.s32 $0xFFFFC000  }
0x59: {  	[hbm4b:s21+s4] =	stream.linear.scatter [tilespmem:s12], [sflag:$0x3], $0x4000, $0x38;
	[tilespmem:$0x11280] =	vst v63  }
0x5a: {  	_ =	swait.ge [sflag:s22], $0x4000  }
0x5b: {  	[sflag:s22] =	ssyncset.done $0x0  }
0x5c: {  	[sflag:s22] =	ssyncadd.s32 $0xFFFFC000  }
0x5d: {  	[hbm4b:s23+s4] =	stream.linear.scatter [tilespmem:s14], [sflag:$0x3], $0x4000, $0x38;
	[tilespmem:$0x11280] =	vst v63  }
0x5e: {  	_ =	swait.ge [sflag:s24], $0x4000  }
0x5f: {  	[sflag:s24] =	ssyncset.done $0x0  }
0x60: {  	[sflag:s24] =	ssyncadd.s32 $0xFFFFC000  }
0x61: {  	[hbm4b:s25+s4] =	stream.linear.scatter [tilespmem:s16], [sflag:$0x3], $0x4000, $0x38;
	[tilespmem:$0x11280] =	vst v63  }
0x62: {  	_ =	swait.ge [sflag:s26], $0x4000  }
0x63: {  	[sflag:s26] =	ssyncset.done $0x0  }
0x64: {  	[sflag:s26] =	ssyncadd.s32 $0xFFFFC000  }
0x65: {  	[hbm4b:s28+s4] =	stream.linear.scatter [tilespmem:s18], [sflag:$0x3], $0x4000, $0x38;
	[tilespmem:$0x11280] =	vst v63  }
0x66: {  	_ =	swait.ge [sflag:s29], $0x1000  }
0x67: {  	[sflag:s29] =	ssyncset.done $0x0  }
0x68: {  	[sflag:s29] =	ssyncadd.s32 $0xFFFFF000  }
0x69: {  	_ =	swait.ge [sflag:s29], $0x4000  }
0x6a: {  	[sflag:s29] =	ssyncset.done $0x0  }
0x6b: {  	[sflag:s29] =	ssyncadd.s32 $0xFFFFC000  }
0x6c: {  	_ =	swait.ge [sflag:s29], $0x4000  }
0x6d: {  	[sflag:s29] =	ssyncset.done $0x0  }
0x6e: {  	[sflag:s29] =	ssyncadd.s32 $0xFFFFC000  }
.Ltmp1:
0x6f: {  	_ =	swait.ge [sflag:s29], $0x4000;
	(pc) =	sbr.rel @p0 .LBB2_1-.Ltmp1, $4  }
0x70: {  	[sflag:s29] =	ssyncset.done $0x0  }
0x71: {  	[sflag:s29] =	ssyncadd.s32 $0xFFFFC000  }
0x72: {  	_ =	swait.ge [sflag:s29], $0x4000  }
0x73: {  	[sflag:s29] =	ssyncset.done $0x0  }
.LBB2_2:
0x74: {  	[sflag:s29] =	ssyncadd.s32 $0xFFFFC000  }
0x75: {  	_ =	sfence.sel $0x180000  }
0x76: {  	[bflag:$0x0] =	sbarrier.arrive $0xFFFF  }
0x77: {  	p0 =	sne.s32 s0, $0x0;
	_ =	strace $0x90000047  }
0x78: {  	s0 =	sadd.s32 @!p0 $0x100000, s2;
	[bflag:$0x2] =	sbarrier.arrive $0xFFFF  }
0x79: {  	[sflag:s0] =	ssyncadd.tile.s32 @!p0 $0x1;
	_ =	shalt  }
.Lfunc_end2:
_tile_overlayer_lowered:
.L_overlay_start_2:
0x7a: {  	(tag) =	ssettag $0x2  }
0x7b: {  	s0 =	rddreg [dreg:$0x0];
	s2 =	stileid.u32  }
0x7c: {  	s1 =	rddreg [dreg:$0x1];
	p0 =	sne.s32 s2, $0x0  }
0x7d: {  	s3 =	rddreg [dreg:$0x2];
	[bflag:$0x3] =	sbarrier.arrive $0xFFFF;
	s2 =	simm.s32 @!p0 $0x1C08  }
0x7e: {  	[timem:s3], [sflag:s2] =	dma.local @!p0 [hbm:s0], s1  }
0x7f: {  	s0 =	simm.s32 @!p0 $0x8  }
0x80: {  	_ =	swait.ge @!p0 [sflag:s0], s1  }
0x81: {  	s1 =	ssub.s32 @!p0 $0x0, s1;
	[sflag:s0] =	ssyncset.done @!p0 $0x0  }
0x82: {  	[sflag:s0] =	ssyncadd.s32 @!p0 s1  }
0x83: {  	[bflag:$0x3] =	sbarrier.arrive $0xFFFF  }
0x84: {  	_ =	shalt  }

</sc_bundles>
